<compile_context>
chip_gen: v7x
topology: tpu7x:2x2x1
jax: 0.10.2.dev20260603
libtpu: 0.0.44.dev20260713+nightly
codegen_flags: <defaults>
</compile_context>

<pallas_src>
import functools

import jax
import jax.numpy as jnp
from jax import lax
from jax.experimental import pallas as pl
from jax.experimental.pallas import tpu as pltpu
from jax.experimental.pallas import tpu_sc as plsc

NUM_POSITIONS = 8192
EMBEDDING_DIM = 2048
TOTAL = 4 * 8192

NUM_WORKERS = 32
B_PER_W = TOTAL // NUM_WORKERS
K = 16
NBUF = 3
G = NBUF - 1
STEPS = B_PER_W // K


def _emb_body(idx_hbm, table_hbm, out_hbm, idx_v, rows_v, gsems, osems):
    nc = plsc.get_sparse_core_info().num_cores
    wid = lax.axis_index("s") * nc + lax.axis_index("c")
    base = wid * B_PER_W

    pltpu.sync_copy(idx_hbm.at[pl.ds(base, B_PER_W)], idx_v)

    def gather(step, buf):
        off = pl.multiple_of(step * K, 8)
        return pltpu.make_async_copy(
            table_hbm.at[idx_v.at[pl.ds(off, K)]], rows_v.at[buf], gsems.at[buf]
        )

    def write(step, buf):
        off = pl.multiple_of(base + step * K, 8)
        return pltpu.make_async_copy(
            rows_v.at[buf], out_hbm.at[pl.ds(off, K)], osems.at[buf]
        )

    for b in range(G):
        gather(b, b).start()

    def body(i, _):
        buf = lax.rem(i, NBUF)

        @pl.when(i + G < STEPS)
        def _():
            nbuf = lax.rem(i + G, NBUF)

            @pl.when(i >= 1)
            def _():
                write(i - 1, nbuf).wait()

            gather(i + G, nbuf).start()

        gather(i, buf).wait()
        write(i, buf).start()
        return 0

    lax.fori_loop(0, STEPS, body, 0)

    for j in range(STEPS - G - 1, STEPS):
        write(j, j % NBUF).wait()


@functools.partial(
    pl.kernel,
    out_type=jax.ShapeDtypeStruct((TOTAL, EMBEDDING_DIM), jnp.float32),
    mesh=plsc.VectorSubcoreMesh(core_axis_name="c", subcore_axis_name="s"),
    scratch_types=[
        pltpu.VMEM((B_PER_W,), jnp.int32),
        pltpu.VMEM((NBUF, K, EMBEDDING_DIM), jnp.float32),
        pltpu.SemaphoreType.DMA((NBUF,)),
        pltpu.SemaphoreType.DMA((NBUF,)),
    ],
)
def _emb(idx_hbm, table_hbm, out_hbm, idx_v, rows_v, gsems, osems):
    _emb_body(idx_hbm, table_hbm, out_hbm, idx_v, rows_v, gsems, osems)


def kernel(positions, weight):
    flat = positions.reshape(-1)
    out = _emb(flat, weight)
    return out.reshape(positions.shape + (weight.shape[1],))

# --- scband reference (transcript-rebuilt; emitter-appended) ---
"""Pipeline reference for scband-positional-embedding-16604343566852 (READ-ONLY COPY).

The authoritative reference and input builder live on the scoring server;
editing this copy changes nothing except your own understanding.
"""

import jax, jax.numpy as jnp
import numpy as np

NUM_POSITIONS = 8192
EMBEDDING_DIM = 2048
BATCH = 4
SEQ_LEN = 8192


def setup_inputs(seed: int = 0) -> dict:
    key = jax.random.key(seed)
    k_idx, k_w = jax.random.split(key)
    positions = jax.random.randint(k_idx, (BATCH, SEQ_LEN), 0, NUM_POSITIONS, dtype=jnp.int32)
    # nn.Embedding default init: N(0, 1)
    weight = jax.random.normal(k_w, (NUM_POSITIONS, EMBEDDING_DIM), dtype=jnp.float32)
    return {"positions": positions, "weight": weight}


def reference(positions, weight):
    # nn.Embedding forward: row gather from the table
    return jnp.take(weight, positions, axis=0)

if __name__ == "__main__":
    import jax
    _d = setup_inputs()
    print(jax.jit(kernel)(*tuple(_d.values())))

</pallas_src>

<mosaic_0001>
#map = affine_map<(d0, d1) -> (0)>
#map1 = affine_map<(d0, d1) -> (0, 0)>
module attributes {stable_mosaic.version = 14 : i64} {
  func.func @_emb(%arg0: i32, %arg1: i32, %arg2: memref<32768xi32, #tpu.memory_space<hbm>>, %arg3: memref<8192x2048xf32, #tpu.memory_space<hbm>>, %arg4: memref<32768x2048xf32, #tpu.memory_space<hbm>>, %arg5: memref<1024xi32, #tpu.memory_space<vmem>>, %arg6: memref<3x16x2048xf32, #tpu.memory_space<vmem>>, %arg7: memref<3x!tpu.dma_semaphore, #tpu.memory_space<semaphore_mem>>, %arg8: memref<3x!tpu.dma_semaphore, #tpu.memory_space<semaphore_mem>>) attributes {dimension_semantics = [#tpu.dimension_semantics<core_parallel>, #tpu.dimension_semantics<subcore_parallel>], iteration_bounds = array<i64: 2, 16>, scalar_prefetch = 0 : i64, scratch_operands = 4 : i64, tpu.core_type = #tpu.core_type<sc_vector_subcore>, window_params = [{transform_indices = #map}, {transform_indices = #map1}, {transform_indices = #map1}]} {
    %mul3A = arith.constant 2 : i32
    %mul3A_0 = arith.muli %arg1, %mul3A : i32
    %add3A = arith.addi %mul3A_0, %arg0 : i32
    %mul3A_1 = arith.constant 1024 : i32
    %mul3A_2 = arith.muli %add3A, %mul3A_1 : i32
    "tpu.region"() ({
      %run_scoped3A = tpu.sem_alloc : memref<!tpu.dma_semaphore, #tpu.memory_space<semaphore_mem>>
      %dma_start3A_91 = tpu.memref_slice %arg2[%mul3A_2] : memref<32768xi32, #tpu.memory_space<hbm>> -> memref<1024xi32, #tpu.memory_space<hbm>>
      %dma_start3A_92 = tpu.memref_slice %arg2[%mul3A_2] : memref<32768xi32, #tpu.memory_space<hbm>> -> memref<1024xi32, #tpu.memory_space<hbm>>
      tpu.enqueue_dma source(%dma_start3A_92 : memref<1024xi32, #tpu.memory_space<hbm>>) target(%arg5 : memref<1024xi32, #tpu.memory_space<vmem>>) target_semaphore(%run_scoped3A : memref<!tpu.dma_semaphore, #tpu.memory_space<semaphore_mem>>)
      %dma_wait3A_93 = tpu.memref_slice %arg2[%mul3A_2] : memref<32768xi32, #tpu.memory_space<hbm>> -> memref<1024xi32, #tpu.memory_space<hbm>>
      %dma_wait3A_94 = tpu.memref_slice %arg2[%mul3A_2] : memref<32768xi32, #tpu.memory_space<hbm>> -> memref<1024xi32, #tpu.memory_space<hbm>>
      tpu.wait_dma2 semaphore(%run_scoped3A : memref<!tpu.dma_semaphore, #tpu.memory_space<semaphore_mem>>) src(%dma_wait3A_94 : memref<1024xi32, #tpu.memory_space<hbm>>) dst(%arg5 : memref<1024xi32, #tpu.memory_space<vmem>>)
      tpu.yield
    }) : () -> ()
    %multiple_of3A = arith.constant 0 : i32
    %multiple_of3A_3 = tpu.assume_multiple %multiple_of3A, 8 : i32
    %dma_start3A = arith.constant 0 : i32
    %dma_start3A_4 = arith.constant 0 : i32
    %dma_start3A_5 = arith.constant 0 : i32
    %dma_start3A_6 = arith.constant 0 : i32
    %dma_start3A_7 = tpu.memref_slice %arg6[%dma_start3A, %dma_start3A_5, %dma_start3A_6] : memref<3x16x2048xf32, #tpu.memory_space<vmem>> -> memref<1x16x2048xf32, #tpu.memory_space<vmem>>
    %dma_start3A_8 = tpu.memref_squeeze %dma_start3A_7 : memref<1x16x2048xf32, #tpu.memory_space<vmem>> -> memref<16x2048xf32, #tpu.memory_space<vmem>>
    %dma_start3A_9 = tpu.memref_slice %arg5[%multiple_of3A_3] : memref<1024xi32, #tpu.memory_space<vmem>> -> memref<16xi32, #tpu.memory_space<vmem>>
    %dma_start3A_10 = arith.constant 0 : i32
    %dma_start3A_11 = arith.constant 0 : i32
    %dma_start3A_12 = tpu.memref_slice %arg3[%dma_start3A_10, %dma_start3A_11] : memref<8192x2048xf32, #tpu.memory_space<hbm>> -> memref<8192x2048xf32, #tpu.memory_space<hbm>>
    %dma_start3A_13 = tpu.memref_slice %arg7[%dma_start3A_4] : memref<3x!tpu.dma_semaphore, #tpu.memory_space<semaphore_mem>> -> memref<1x!tpu.dma_semaphore, #tpu.memory_space<semaphore_mem>>
    %dma_start3A_14 = tpu.memref_squeeze %dma_start3A_13 : memref<1x!tpu.dma_semaphore, #tpu.memory_space<semaphore_mem>> -> memref<!tpu.dma_semaphore, #tpu.memory_space<semaphore_mem>>
    tpu.enqueue_indirect_dma source(%dma_start3A_12 : memref<8192x2048xf32, #tpu.memory_space<hbm>>) target(%dma_start3A_8 : memref<16x2048xf32, #tpu.memory_space<vmem>>) offsets(%dma_start3A_9 : memref<16xi32, #tpu.memory_space<vmem>>) semaphore(%dma_start3A_14 : memref<!tpu.dma_semaphore, #tpu.memory_space<semaphore_mem>>)
    %multiple_of3A_15 = arith.constant 16 : i32
    %multiple_of3A_16 = tpu.assume_multiple %multiple_of3A_15, 8 : i32
    %dma_start3A_17 = arith.constant 1 : i32
    %dma_start3A_18 = arith.constant 1 : i32
    %dma_start3A_19 = arith.constant 0 : i32
    %dma_start3A_20 = arith.constant 0 : i32
    %dma_start3A_21 = tpu.memref_slice %arg6[%dma_start3A_17, %dma_start3A_19, %dma_start3A_20] : memref<3x16x2048xf32, #tpu.memory_space<vmem>> -> memref<1x16x2048xf32, #tpu.memory_space<vmem>>
    %dma_start3A_22 = tpu.memref_squeeze %dma_start3A_21 : memref<1x16x2048xf32, #tpu.memory_space<vmem>> -> memref<16x2048xf32, #tpu.memory_space<vmem>>
    %dma_start3A_23 = tpu.memref_slice %arg5[%multiple_of3A_16] : memref<1024xi32, #tpu.memory_space<vmem>> -> memref<16xi32, #tpu.memory_space<vmem>>
    %dma_start3A_24 = arith.constant 0 : i32
    %dma_start3A_25 = arith.constant 0 : i32
    %dma_start3A_26 = tpu.memref_slice %arg3[%dma_start3A_24, %dma_start3A_25] : memref<8192x2048xf32, #tpu.memory_space<hbm>> -> memref<8192x2048xf32, #tpu.memory_space<hbm>>
    %dma_start3A_27 = tpu.memref_slice %arg7[%dma_start3A_18] : memref<3x!tpu.dma_semaphore, #tpu.memory_space<semaphore_mem>> -> memref<1x!tpu.dma_semaphore, #tpu.memory_space<semaphore_mem>>
    %dma_start3A_28 = tpu.memref_squeeze %dma_start3A_27 : memref<1x!tpu.dma_semaphore, #tpu.memory_space<semaphore_mem>> -> memref<!tpu.dma_semaphore, #tpu.memory_space<semaphore_mem>>
    tpu.enqueue_indirect_dma source(%dma_start3A_26 : memref<8192x2048xf32, #tpu.memory_space<hbm>>) target(%dma_start3A_22 : memref<16x2048xf32, #tpu.memory_space<vmem>>) offsets(%dma_start3A_23 : memref<16xi32, #tpu.memory_space<vmem>>) semaphore(%dma_start3A_28 : memref<!tpu.dma_semaphore, #tpu.memory_space<semaphore_mem>>)
    %scan3A = arith.constant 0 : i32
    %scan3A_29 = arith.constant 0 : i32
    %scan3A_30 = arith.constant 64 : i32
    %scan3A_31 = arith.addi %scan3A_29, %scan3A_30 : i32
    %scan3A_32 = arith.constant 1 : i32
    %scan3A_33 = scf.for %scan3A_91 = %scan3A_29 to %scan3A_31 step %scan3A_32 iter_args(%scan3A_92 = %scan3A) -> (i32)  : i32 {
      %rem3A = arith.constant 3 : i32
      %rem3A_93 = arith.remsi %scan3A_91, %rem3A : i32
      %add3A_94 = arith.constant 2 : i32
      %add3A_95 = arith.addi %scan3A_91, %add3A_94 : i32
      %lt3A = arith.constant 64 : i32
      %lt3A_96 = arith.cmpi slt, %add3A_95, %lt3A : i32
      %convert_element_type3A = arith.extui %lt3A_96 : i1 to i32
      %cond3A = arith.constant 0 : i32
      %cond3A_97 = arith.cmpi ne, %convert_element_type3A, %cond3A : i32
      scf.if %cond3A_97 {
        %add3A_130 = arith.constant 2 : i32
        %add3A_131 = arith.addi %scan3A_91, %add3A_130 : i32
        %rem3A_132 = arith.constant 3 : i32
        %rem3A_133 = arith.remsi %add3A_131, %rem3A_132 : i32
        %ge3A = arith.constant 1 : i32
        %ge3A_134 = arith.cmpi sge, %scan3A_91, %ge3A : i32
        %convert_element_type3A_135 = arith.extui %ge3A_134 : i1 to i32
        %cond3A_136 = arith.constant 0 : i32
        %cond3A_137 = arith.cmpi ne, %convert_element_type3A_135, %cond3A_136 : i32
        scf.if %cond3A_137 {
          %sub3A = arith.constant 1 : i32
          %sub3A_153 = arith.subi %scan3A_91, %sub3A : i32
          %mul3A_154 = arith.constant 16 : i32
          %mul3A_155 = arith.muli %sub3A_153, %mul3A_154 : i32
          %add3A_156 = arith.addi %mul3A_2, %mul3A_155 : i32
          %multiple_of3A_157 = tpu.assume_multiple %add3A_156, 8 : i32
          %dma_wait3A_158 = arith.constant 0 : i32
          %dma_wait3A_159 = arith.constant 0 : i32
          %dma_wait3A_160 = tpu.memref_slice %arg6[%rem3A_133, %dma_wait3A_158, %dma_wait3A_159] : memref<3x16x2048xf32, #tpu.memory_space<vmem>> -> memref<1x16x2048xf32, #tpu.memory_space<vmem>>
          %dma_wait3A_161 = tpu.memref_squeeze %dma_wait3A_160 : memref<1x16x2048xf32, #tpu.memory_space<vmem>> -> memref<16x2048xf32, #tpu.memory_space<vmem>>
          %dma_wait3A_162 = arith.constant 0 : i32
          %dma_wait3A_163 = tpu.memref_slice %arg4[%multiple_of3A_157, %dma_wait3A_162] : memref<32768x2048xf32, #tpu.memory_space<hbm>> -> memref<16x2048xf32, #tpu.memory_space<hbm>>
          %dma_wait3A_164 = tpu.memref_slice %arg8[%rem3A_133] : memref<3x!tpu.dma_semaphore, #tpu.memory_space<semaphore_mem>> -> memref<1x!tpu.dma_semaphore, #tpu.memory_space<semaphore_mem>>
          %dma_wait3A_165 = tpu.memref_squeeze %dma_wait3A_164 : memref<1x!tpu.dma_semaphore, #tpu.memory_space<semaphore_mem>> -> memref<!tpu.dma_semaphore, #tpu.memory_space<semaphore_mem>>
          %dma_wait3A_166 = arith.constant 0 : i32
          %dma_wait3A_167 = tpu.memref_slice %arg4[%multiple_of3A_157, %dma_wait3A_166] : memref<32768x2048xf32, #tpu.memory_space<hbm>> -> memref<16x2048xf32, #tpu.memory_space<hbm>>
          %dma_wait3A_168 = arith.constant 0 : i32
          %dma_wait3A_169 = arith.constant 0 : i32
          %dma_wait3A_170 = tpu.memref_slice %arg6[%rem3A_133, %dma_wait3A_168, %dma_wait3A_169] : memref<3x16x2048xf32, #tpu.memory_space<vmem>> -> memref<1x16x2048xf32, #tpu.memory_space<vmem>>
          %dma_wait3A_171 = tpu.memref_squeeze %dma_wait3A_170 : memref<1x16x2048xf32, #tpu.memory_space<vmem>> -> memref<16x2048xf32, #tpu.memory_space<vmem>>
          tpu.wait_dma2 semaphore(%dma_wait3A_165 : memref<!tpu.dma_semaphore, #tpu.memory_space<semaphore_mem>>) src(%dma_wait3A_171 : memref<16x2048xf32, #tpu.memory_space<vmem>>) dst(%dma_wait3A_167 : memref<16x2048xf32, #tpu.memory_space<hbm>>)
        } else {
        }
        %add3A_138 = arith.constant 2 : i32
        %add3A_139 = arith.addi %scan3A_91, %add3A_138 : i32
        %mul3A_140 = arith.constant 16 : i32
        %mul3A_141 = arith.muli %add3A_139, %mul3A_140 : i32
        %multiple_of3A_142 = tpu.assume_multiple %mul3A_141, 8 : i32
        %dma_start3A_143 = arith.constant 0 : i32
        %dma_start3A_144 = arith.constant 0 : i32
        %dma_start3A_145 = tpu.memref_slice %arg6[%rem3A_133, %dma_start3A_143, %dma_start3A_144] : memref<3x16x2048xf32, #tpu.memory_space<vmem>> -> memref<1x16x2048xf32, #tpu.memory_space<vmem>>
        %dma_start3A_146 = tpu.memref_squeeze %dma_start3A_145 : memref<1x16x2048xf32, #tpu.memory_space<vmem>> -> memref<16x2048xf32, #tpu.memory_space<vmem>>
        %dma_start3A_147 = tpu.memref_slice %arg5[%multiple_of3A_142] : memref<1024xi32, #tpu.memory_space<vmem>> -> memref<16xi32, #tpu.memory_space<vmem>>
        %dma_start3A_148 = arith.constant 0 : i32
        %dma_start3A_149 = arith.constant 0 : i32
        %dma_start3A_150 = tpu.memref_slice %arg3[%dma_start3A_148, %dma_start3A_149] : memref<8192x2048xf32, #tpu.memory_space<hbm>> -> memref<8192x2048xf32, #tpu.memory_space<hbm>>
        %dma_start3A_151 = tpu.memref_slice %arg7[%rem3A_133] : memref<3x!tpu.dma_semaphore, #tpu.memory_space<semaphore_mem>> -> memref<1x!tpu.dma_semaphore, #tpu.memory_space<semaphore_mem>>
        %dma_start3A_152 = tpu.memref_squeeze %dma_start3A_151 : memref<1x!tpu.dma_semaphore, #tpu.memory_space<semaphore_mem>> -> memref<!tpu.dma_semaphore, #tpu.memory_space<semaphore_mem>>
        tpu.enqueue_indirect_dma source(%dma_start3A_150 : memref<8192x2048xf32, #tpu.memory_space<hbm>>) target(%dma_start3A_146 : memref<16x2048xf32, #tpu.memory_space<vmem>>) offsets(%dma_start3A_147 : memref<16xi32, #tpu.memory_space<vmem>>) semaphore(%dma_start3A_152 : memref<!tpu.dma_semaphore, #tpu.memory_space<semaphore_mem>>)
      } else {
      }
      %mul3A_98 = arith.constant 16 : i32
      %mul3A_99 = arith.muli %scan3A_91, %mul3A_98 : i32
      %multiple_of3A_100 = tpu.assume_multiple %mul3A_99, 8 : i32
      %dma_wait3A_101 = arith.constant 0 : i32
      %dma_wait3A_102 = arith.constant 0 : i32
      %dma_wait3A_103 = tpu.memref_slice %arg6[%rem3A_93, %dma_wait3A_101, %dma_wait3A_102] : memref<3x16x2048xf32, #tpu.memory_space<vmem>> -> memref<1x16x2048xf32, #tpu.memory_space<vmem>>
      %dma_wait3A_104 = tpu.memref_squeeze %dma_wait3A_103 : memref<1x16x2048xf32, #tpu.memory_space<vmem>> -> memref<16x2048xf32, #tpu.memory_space<vmem>>
      %dma_wait3A_105 = tpu.memref_slice %arg5[%multiple_of3A_100] : memref<1024xi32, #tpu.memory_space<vmem>> -> memref<16xi32, #tpu.memory_space<vmem>>
      %dma_wait3A_106 = arith.constant 0 : i32
      %dma_wait3A_107 = arith.constant 0 : i32
      %dma_wait3A_108 = tpu.memref_slice %arg3[%dma_wait3A_106, %dma_wait3A_107] : memref<8192x2048xf32, #tpu.memory_space<hbm>> -> memref<8192x2048xf32, #tpu.memory_space<hbm>>
      %dma_wait3A_109 = tpu.memref_slice %arg7[%rem3A_93] : memref<3x!tpu.dma_semaphore, #tpu.memory_space<semaphore_mem>> -> memref<1x!tpu.dma_semaphore, #tpu.memory_space<semaphore_mem>>
      %dma_wait3A_110 = tpu.memref_squeeze %dma_wait3A_109 : memref<1x!tpu.dma_semaphore, #tpu.memory_space<semaphore_mem>> -> memref<!tpu.dma_semaphore, #tpu.memory_space<semaphore_mem>>
      tpu.wait_indirect_dma semaphore(%dma_wait3A_110 : memref<!tpu.dma_semaphore, #tpu.memory_space<semaphore_mem>>) src(%dma_wait3A_108 : memref<8192x2048xf32, #tpu.memory_space<hbm>>) dst(%dma_wait3A_104 : memref<16x2048xf32, #tpu.memory_space<vmem>>)
      %mul3A_111 = arith.constant 16 : i32
      %mul3A_112 = arith.muli %scan3A_91, %mul3A_111 : i32
      %add3A_113 = arith.addi %mul3A_2, %mul3A_112 : i32
      %multiple_of3A_114 = tpu.assume_multiple %add3A_113, 8 : i32
      %dma_start3A_115 = arith.constant 0 : i32
      %dma_start3A_116 = arith.constant 0 : i32
      %dma_start3A_117 = tpu.memref_slice %arg6[%rem3A_93, %dma_start3A_115, %dma_start3A_116] : memref<3x16x2048xf32, #tpu.memory_space<vmem>> -> memref<1x16x2048xf32, #tpu.memory_space<vmem>>
      %dma_start3A_118 = tpu.memref_squeeze %dma_start3A_117 : memref<1x16x2048xf32, #tpu.memory_space<vmem>> -> memref<16x2048xf32, #tpu.memory_space<vmem>>
      %dma_start3A_119 = arith.constant 0 : i32
      %dma_start3A_120 = tpu.memref_slice %arg4[%multiple_of3A_114, %dma_start3A_119] : memref<32768x2048xf32, #tpu.memory_space<hbm>> -> memref<16x2048xf32, #tpu.memory_space<hbm>>
      %dma_start3A_121 = tpu.memref_slice %arg8[%rem3A_93] : memref<3x!tpu.dma_semaphore, #tpu.memory_space<semaphore_mem>> -> memref<1x!tpu.dma_semaphore, #tpu.memory_space<semaphore_mem>>
      %dma_start3A_122 = tpu.memref_squeeze %dma_start3A_121 : memref<1x!tpu.dma_semaphore, #tpu.memory_space<semaphore_mem>> -> memref<!tpu.dma_semaphore, #tpu.memory_space<semaphore_mem>>
      %dma_start3A_123 = arith.constant 0 : i32
      %dma_start3A_124 = tpu.memref_slice %arg4[%multiple_of3A_114, %dma_start3A_123] : memref<32768x2048xf32, #tpu.memory_space<hbm>> -> memref<16x2048xf32, #tpu.memory_space<hbm>>
      %dma_start3A_125 = arith.constant 0 : i32
      %dma_start3A_126 = arith.constant 0 : i32
      %dma_start3A_127 = tpu.memref_slice %arg6[%rem3A_93, %dma_start3A_125, %dma_start3A_126] : memref<3x16x2048xf32, #tpu.memory_space<vmem>> -> memref<1x16x2048xf32, #tpu.memory_space<vmem>>
      %dma_start3A_128 = tpu.memref_squeeze %dma_start3A_127 : memref<1x16x2048xf32, #tpu.memory_space<vmem>> -> memref<16x2048xf32, #tpu.memory_space<vmem>>
      tpu.enqueue_dma source(%dma_start3A_128 : memref<16x2048xf32, #tpu.memory_space<vmem>>) target(%dma_start3A_124 : memref<16x2048xf32, #tpu.memory_space<hbm>>) target_semaphore(%dma_start3A_122 : memref<!tpu.dma_semaphore, #tpu.memory_space<semaphore_mem>>)
      %scan3A_129 = arith.constant 0 : i32
      scf.yield %scan3A_129 : i32
    }
    %scan3A_34 = arith.constant 64 : i32
    %add3A_35 = arith.constant 976 : i32
    %add3A_36 = arith.addi %mul3A_2, %add3A_35 : i32
    %multiple_of3A_37 = tpu.assume_multiple %add3A_36, 8 : i32
    %dma_wait3A = arith.constant 1 : i32
    %dma_wait3A_38 = arith.constant 1 : i32
    %dma_wait3A_39 = arith.constant 0 : i32
    %dma_wait3A_40 = arith.constant 0 : i32
    %dma_wait3A_41 = tpu.memref_slice %arg6[%dma_wait3A, %dma_wait3A_39, %dma_wait3A_40] : memref<3x16x2048xf32, #tpu.memory_space<vmem>> -> memref<1x16x2048xf32, #tpu.memory_space<vmem>>
    %dma_wait3A_42 = tpu.memref_squeeze %dma_wait3A_41 : memref<1x16x2048xf32, #tpu.memory_space<vmem>> -> memref<16x2048xf32, #tpu.memory_space<vmem>>
    %dma_wait3A_43 = arith.constant 0 : i32
    %dma_wait3A_44 = tpu.memref_slice %arg4[%multiple_of3A_37, %dma_wait3A_43] : memref<32768x2048xf32, #tpu.memory_space<hbm>> -> memref<16x2048xf32, #tpu.memory_space<hbm>>
    %dma_wait3A_45 = tpu.memref_slice %arg8[%dma_wait3A_38] : memref<3x!tpu.dma_semaphore, #tpu.memory_space<semaphore_mem>> -> memref<1x!tpu.dma_semaphore, #tpu.memory_space<semaphore_mem>>
    %dma_wait3A_46 = tpu.memref_squeeze %dma_wait3A_45 : memref<1x!tpu.dma_semaphore, #tpu.memory_space<semaphore_mem>> -> memref<!tpu.dma_semaphore, #tpu.memory_space<semaphore_mem>>
    %dma_wait3A_47 = arith.constant 0 : i32
    %dma_wait3A_48 = tpu.memref_slice %arg4[%multiple_of3A_37, %dma_wait3A_47] : memref<32768x2048xf32, #tpu.memory_space<hbm>> -> memref<16x2048xf32, #tpu.memory_space<hbm>>
    %dma_wait3A_49 = arith.constant 0 : i32
    %dma_wait3A_50 = arith.constant 0 : i32
    %dma_wait3A_51 = tpu.memref_slice %arg6[%dma_wait3A, %dma_wait3A_49, %dma_wait3A_50] : memref<3x16x2048xf32, #tpu.memory_space<vmem>> -> memref<1x16x2048xf32, #tpu.memory_space<vmem>>
    %dma_wait3A_52 = tpu.memref_squeeze %dma_wait3A_51 : memref<1x16x2048xf32, #tpu.memory_space<vmem>> -> memref<16x2048xf32, #tpu.memory_space<vmem>>
    tpu.wait_dma2 semaphore(%dma_wait3A_46 : memref<!tpu.dma_semaphore, #tpu.memory_space<semaphore_mem>>) src(%dma_wait3A_52 : memref<16x2048xf32, #tpu.memory_space<vmem>>) dst(%dma_wait3A_48 : memref<16x2048xf32, #tpu.memory_space<hbm>>)
    %add3A_53 = arith.constant 992 : i32
    %add3A_54 = arith.addi %mul3A_2, %add3A_53 : i32
    %multiple_of3A_55 = tpu.assume_multiple %add3A_54, 8 : i32
    %dma_wait3A_56 = arith.constant 2 : i32
    %dma_wait3A_57 = arith.constant 2 : i32
    %dma_wait3A_58 = arith.constant 0 : i32
    %dma_wait3A_59 = arith.constant 0 : i32
    %dma_wait3A_60 = tpu.memref_slice %arg6[%dma_wait3A_56, %dma_wait3A_58, %dma_wait3A_59] : memref<3x16x2048xf32, #tpu.memory_space<vmem>> -> memref<1x16x2048xf32, #tpu.memory_space<vmem>>
    %dma_wait3A_61 = tpu.memref_squeeze %dma_wait3A_60 : memref<1x16x2048xf32, #tpu.memory_space<vmem>> -> memref<16x2048xf32, #tpu.memory_space<vmem>>
    %dma_wait3A_62 = arith.constant 0 : i32
    %dma_wait3A_63 = tpu.memref_slice %arg4[%multiple_of3A_55, %dma_wait3A_62] : memref<32768x2048xf32, #tpu.memory_space<hbm>> -> memref<16x2048xf32, #tpu.memory_space<hbm>>
    %dma_wait3A_64 = tpu.memref_slice %arg8[%dma_wait3A_57] : memref<3x!tpu.dma_semaphore, #tpu.memory_space<semaphore_mem>> -> memref<1x!tpu.dma_semaphore, #tpu.memory_space<semaphore_mem>>
    %dma_wait3A_65 = tpu.memref_squeeze %dma_wait3A_64 : memref<1x!tpu.dma_semaphore, #tpu.memory_space<semaphore_mem>> -> memref<!tpu.dma_semaphore, #tpu.memory_space<semaphore_mem>>
    %dma_wait3A_66 = arith.constant 0 : i32
    %dma_wait3A_67 = tpu.memref_slice %arg4[%multiple_of3A_55, %dma_wait3A_66] : memref<32768x2048xf32, #tpu.memory_space<hbm>> -> memref<16x2048xf32, #tpu.memory_space<hbm>>
    %dma_wait3A_68 = arith.constant 0 : i32
    %dma_wait3A_69 = arith.constant 0 : i32
    %dma_wait3A_70 = tpu.memref_slice %arg6[%dma_wait3A_56, %dma_wait3A_68, %dma_wait3A_69] : memref<3x16x2048xf32, #tpu.memory_space<vmem>> -> memref<1x16x2048xf32, #tpu.memory_space<vmem>>
    %dma_wait3A_71 = tpu.memref_squeeze %dma_wait3A_70 : memref<1x16x2048xf32, #tpu.memory_space<vmem>> -> memref<16x2048xf32, #tpu.memory_space<vmem>>
    tpu.wait_dma2 semaphore(%dma_wait3A_65 : memref<!tpu.dma_semaphore, #tpu.memory_space<semaphore_mem>>) src(%dma_wait3A_71 : memref<16x2048xf32, #tpu.memory_space<vmem>>) dst(%dma_wait3A_67 : memref<16x2048xf32, #tpu.memory_space<hbm>>)
    %add3A_72 = arith.constant 1008 : i32
    %add3A_73 = arith.addi %mul3A_2, %add3A_72 : i32
    %multiple_of3A_74 = tpu.assume_multiple %add3A_73, 8 : i32
    %dma_wait3A_75 = arith.constant 0 : i32
    %dma_wait3A_76 = arith.constant 0 : i32
    %dma_wait3A_77 = arith.constant 0 : i32
    %dma_wait3A_78 = arith.constant 0 : i32
    %dma_wait3A_79 = tpu.memref_slice %arg6[%dma_wait3A_75, %dma_wait3A_77, %dma_wait3A_78] : memref<3x16x2048xf32, #tpu.memory_space<vmem>> -> memref<1x16x2048xf32, #tpu.memory_space<vmem>>
    %dma_wait3A_80 = tpu.memref_squeeze %dma_wait3A_79 : memref<1x16x2048xf32, #tpu.memory_space<vmem>> -> memref<16x2048xf32, #tpu.memory_space<vmem>>
    %dma_wait3A_81 = arith.constant 0 : i32
    %dma_wait3A_82 = tpu.memref_slice %arg4[%multiple_of3A_74, %dma_wait3A_81] : memref<32768x2048xf32, #tpu.memory_space<hbm>> -> memref<16x2048xf32, #tpu.memory_space<hbm>>
    %dma_wait3A_83 = tpu.memref_slice %arg8[%dma_wait3A_76] : memref<3x!tpu.dma_semaphore, #tpu.memory_space<semaphore_mem>> -> memref<1x!tpu.dma_semaphore, #tpu.memory_space<semaphore_mem>>
    %dma_wait3A_84 = tpu.memref_squeeze %dma_wait3A_83 : memref<1x!tpu.dma_semaphore, #tpu.memory_space<semaphore_mem>> -> memref<!tpu.dma_semaphore, #tpu.memory_space<semaphore_mem>>
    %dma_wait3A_85 = arith.constant 0 : i32
    %dma_wait3A_86 = tpu.memref_slice %arg4[%multiple_of3A_74, %dma_wait3A_85] : memref<32768x2048xf32, #tpu.memory_space<hbm>> -> memref<16x2048xf32, #tpu.memory_space<hbm>>
    %dma_wait3A_87 = arith.constant 0 : i32
    %dma_wait3A_88 = arith.constant 0 : i32
    %dma_wait3A_89 = tpu.memref_slice %arg6[%dma_wait3A_75, %dma_wait3A_87, %dma_wait3A_88] : memref<3x16x2048xf32, #tpu.memory_space<vmem>> -> memref<1x16x2048xf32, #tpu.memory_space<vmem>>
    %dma_wait3A_90 = tpu.memref_squeeze %dma_wait3A_89 : memref<1x16x2048xf32, #tpu.memory_space<vmem>> -> memref<16x2048xf32, #tpu.memory_space<vmem>>
    tpu.wait_dma2 semaphore(%dma_wait3A_84 : memref<!tpu.dma_semaphore, #tpu.memory_space<semaphore_mem>>) src(%dma_wait3A_90 : memref<16x2048xf32, #tpu.memory_space<vmem>>) dst(%dma_wait3A_86 : memref<16x2048xf32, #tpu.memory_space<hbm>>)
    return
  }
}

</mosaic_0001>

<sc_bundles>
// kernel: kernel.3.cloned.1.call-start
scs
__scs_entry_jumppad:
0x0: {  	(pc) =	sbr.rel $0x88, $3  }
0x1: {  	(tag) =	ssettag $0x0;
	lr =	simm.s32 $0x1  }
0x2: {  	[smem:$0x3F9F] =	sst lr;
	_ =	strace $0xD0000000  }
0x3: {  	_ = 	snop  }
0x4: {  	_ = 	snop  }
0x5: {  	_ = 	snop  }
0x6: {  	_ = 	snop  }
0x7: {  	_ = 	snop  }
__scs_overlays_trampoline_lowered:
0x8: {  	[smem:$0x3FAE] =	sst s0  }
0x9: {  	[smem:$0x3FAF] =	sst s1  }
0xa: {  	[smem:$0x3FB0] =	sst s2  }
0xb: {  	[smem:$0x3FB1] =	sst s3  }
0xc: {  	[smem:$0x3FB2] =	sst s4  }
0xd: {  	[smem:$0x3FB3] =	sst s5  }
0xe: {  	[smem:$0x3FB4] =	sst s6  }
0xf: {  	[smem:$0x3FB5] =	sst s7  }
0x10: {  	[smem:$0x3FB6] =	sst s8  }
0x11: {  	[smem:$0x3FB7] =	sst s9;
	s0 =	simm.s32 @!p0 $0x0  }
0x12: {  	s1 =	sld [smem:$0x3F9D];
	s0 =	simm.s32 @p0 $0x1  }
0x13: {  	[smem:$0x3FB8] =	sst s0;
	s0 =	simm.s32 @!p1 $0x0  }
0x14: {  	s2 =	sld [smem:$0x3F9C];
	s0 =	simm.s32 @p1 $0x1  }
0x15: {  	[smem:$0x3FB9] =	sst s0;
	s0 =	simm.s32 @!p2 $0x0  }
0x16: {  	s3 =	sld [smem:$0x3FDB];
	s0 =	simm.s32 @p2 $0x1  }
0x17: {  	s4 =	simm.s32 $0x1BF5;
	[smem:$0x3FBB] =	sst s0  }
0x18: {  	s0 =	sld [smem:$0x3F9E];
	_ =	swait.ge [sflag:s4], $0x0  }
0x19: {  	s7 =	sld [smem:$0x3F9F]  }
0x1a: {  	s8 =	sadd.s32 $0xFFFFE003, lr  }
0x1b: {  	s9 =	sadd.s32 $0xFFFFFEF7, lr;
	s5 =	simm.s32 $0xFFFFFFFF;
	p2 =	slt.u32 s8, $0xFFFFF086  }
0x1c: {  	p1 =	slt.u32 s9, $0xF7A;
	s5 =	simm.s32 @!p2 $0x0  }
0x1d: {  	s5 =	simm.s32 @p1 $0x1;
	p0 =	seq.s32 s7, s2  }
0x1e: {  	s7 =	smul.u32 @!p0 $0xF7A, s2;
	p2 =	seq.s32 @!p0 s5, $0x0  }
0x1f: {  	s9 =	smul.u32 $0xF7A, s1;
	s8 =	simm.s32 @!p0 $0x1BF5;
	p2 =	por !p2, p0  }
0x20: {  	[sflag:s8] =	ssyncset.s32 @!p0 $0xFFFFF086;
	s6 =	sadd.s32 @!p0 s3, s7;
	s7 =	simm.s32 @!p0 $0x108  }
0x21: {  	s3 =	sadd.s32 s3, s9;
	s6 =	sadd.s32 @!p0 $0x88, s6;
	s7 =	simm.s32 @p2 $0x1082  }
0x22: {  	[simem:s7], [sflag:s8] =	dma.local @!p0 [hbm:s6], $0xF7A  }
0x23: {  	s9 =	sor.u32 $0xD0000000, s2;
	s6 =	simm.s32 $0x108;
	_ =	swait.ge @!p0 [sflag:s8], $0x0  }
0x24: {  	s3 =	sadd.s32 $0x88, s3;
	s6 =	simm.s32 @!p1 $0x1082;
	[sflag:s4] =	ssyncset.s32 $0xFFFFF086  }
0x25: {  	[simem:s6], [sflag:s4] =	dma.local [hbm:s3], $0xF7A  }
0x26: {  	[smem:$0x3F9F] =	sst s1;
	(tag) =	ssettag s2;
	_ =	strace s9  }
0x27: {  	s1 =	sld [smem:$0x3FAF]  }
0x28: {  	s2 =	sld [smem:$0x3FB0]  }
0x29: {  	s4 =	sld [smem:$0x3FB2]  }
0x2a: {  	p0 =	seq.s32 s5, $0x0;
	s5 =	sld [smem:$0x3FB3]  }
0x2b: {  	s6 =	sld [smem:$0x3FB4]  }
0x2c: {  	s7 =	sld [smem:$0x3FB5]  }
0x2d: {  	s3 =	simm.s32 $0x108;
	s8 =	sld [smem:$0x3FB6]  }
0x2e: {  	s3 =	simm.s32 @!p0 $0x1082;
	s9 =	sld [smem:$0x3FB7]  }
0x2f: {  	lr =	sadd.s32 s0, s3;
	s0 =	sld [smem:$0x3FAE]  }
0x30: {  	s3 =	sld [smem:$0x3FB1]  }
0x31: {  	[smem:$0x3FBA] =	sst s10  }
0x32: {  	s10 =	sld [smem:$0x3FB8];
	_ =	sdelay $0x3  }
0x33: {  	p0 =	seq.s32 s10, $0x1;
	s10 =	sld [smem:$0x3FBA];
	_ =	sdelay $0x3  }
0x34: {  	[smem:$0x3FBA] =	sst s10  }
0x35: {  	s10 =	sld [smem:$0x3FB9];
	_ =	sdelay $0x3  }
0x36: {  	p1 =	seq.s32 s10, $0x1;
	s10 =	sld [smem:$0x3FBA];
	_ =	sdelay $0x3  }
0x37: {  	[smem:$0x3FBA] =	sst s10  }
0x38: {  	s10 =	sld [smem:$0x3FBB]  }
0x39: {  	_ = 	snop;
	(pc) =	sbr.ind lr, $3  }
0x3a: {  	_ = 	snop  }
0x3b: {  	_ = 	snop  }
0x3c: {  	p2 =	seq.s32 s10, $0x1;
	s10 =	sld [smem:$0x3FBA]  }
0x3d: {  	_ =	shalt  }
0x3e: {  	_ =	shalt  }
0x3f: {  	_ =	shalt  }
0x40: {  	_ =	shalt  }
0x41: {  	_ =	shalt  }
0x42: {  	_ =	shalt  }
0x43: {  	_ =	shalt  }
0x44: {  	_ =	shalt  }
0x45: {  	_ =	shalt  }
0x46: {  	_ =	shalt  }
0x47: {  	_ =	shalt  }
0x48: {  	_ =	shalt  }
0x49: {  	_ =	shalt  }
0x4a: {  	_ =	shalt  }
0x4b: {  	_ =	shalt  }
0x4c: {  	_ =	shalt  }
0x4d: {  	_ =	shalt  }
0x4e: {  	_ =	shalt  }
0x4f: {  	_ =	shalt  }
0x50: {  	_ =	shalt  }
0x51: {  	_ =	shalt  }
0x52: {  	_ =	shalt  }
0x53: {  	_ =	shalt  }
0x54: {  	_ =	shalt  }
0x55: {  	_ =	shalt  }
0x56: {  	_ =	shalt  }
0x57: {  	_ =	shalt  }
0x58: {  	_ =	shalt  }
0x59: {  	_ =	shalt  }
0x5a: {  	_ =	shalt  }
0x5b: {  	_ =	shalt  }
0x5c: {  	_ =	shalt  }
0x5d: {  	_ =	shalt  }
0x5e: {  	_ =	shalt  }
0x5f: {  	_ =	shalt  }
0x60: {  	_ =	shalt  }
0x61: {  	_ =	shalt  }
0x62: {  	_ =	shalt  }
0x63: {  	_ =	shalt  }
0x64: {  	_ =	shalt  }
0x65: {  	_ =	shalt  }
0x66: {  	_ =	shalt  }
0x67: {  	_ =	shalt  }
0x68: {  	_ =	shalt  }
0x69: {  	_ =	shalt  }
0x6a: {  	_ =	shalt  }
0x6b: {  	_ =	shalt  }
0x6c: {  	_ =	shalt  }
0x6d: {  	_ =	shalt  }
0x6e: {  	_ =	shalt  }
0x6f: {  	_ =	shalt  }
0x70: {  	_ =	shalt  }
0x71: {  	_ =	shalt  }
0x72: {  	_ =	shalt  }
0x73: {  	_ =	shalt  }
0x74: {  	_ =	shalt  }
0x75: {  	_ =	shalt  }
0x76: {  	_ =	shalt  }
0x77: {  	_ =	shalt  }
0x78: {  	_ =	shalt  }
0x79: {  	_ =	shalt  }
0x7a: {  	_ =	shalt  }
0x7b: {  	_ =	shalt  }
0x7c: {  	_ =	shalt  }
0x7d: {  	_ =	shalt  }
0x7e: {  	_ =	shalt  }
0x7f: {  	_ =	shalt  }
0x80: {  	_ =	shalt  }
0x81: {  	_ =	shalt  }
0x82: {  	_ =	shalt  }
0x83: {  	_ =	shalt  }
0x84: {  	_ =	shalt  }
0x85: {  	_ =	shalt  }
0x86: {  	_ =	shalt  }
0x87: {  	_ =	shalt  }
.Lfunc_end0:
.L_simem_size_0:
called_computation_lowered:
.L_overlay_start_0:
0x88: {  	s2 =	sld [smem:$0x3FD9]  }
0x89: {  	s3 =	sld [smem:$0x3FFE];
	_ =	sdelay $0x1  }
0x8a: {  	s1 =	srdreg.scid  }
0x8b: {  	s0 =	sand.u32 $0x1, s1  }
0x8c: {  	s17 =	sshll.u32 s0, $0xA;
	s2 =	sadd.s32 s3, s2  }
0x8d: {  	s2 =	sadd.s32 s2, s17  }
0x8e: {  	[smem:$0x3FC6] =	sst s2  }
0x8f: {  	_ = 	snop  }
0x90: {  	s2 =	sld [smem:$0x3FC8]  }
0x91: {  	s18 =	sld [smem:$0x3FD0];
	(tm) =	ssettm $0x1  }
0x92: {  	s4 =	sld [smem:$0x3FFB];
	_ =	sdelay $0x3  }
0x93: {  	_ =	strace s4  }
0x94: {  	s4 =	sld [smem:$0x3FFC];
	_ =	sdelay $0x3  }
0x95: {  	_ =	strace s4  }
0x96: {  	s4 =	sld [smem:$0x3FFD];
	_ =	sdelay $0x3  }
0x97: {  	_ =	strace s4  }
0x98: {  	_ =	strace $0x8FFFFFFF  }
0x99: {  	s19 =	sld [smem:$0x3FDB];
	_ =	sdelay $0x1  }
0x9a: {  	s5 =	simm.s32 $_scs_section_size  }
0x9b: {  	s6 =	simm.s32 $_size__tile_overlayer_lowered;
	s7 =	simm.s32 $_tile_overlayer_lowered  }
0x9c: {  	s22 =	simm.s32 $0x1BFF;
	s21 =	sshll.u32 s7, $0x1;
	s4 =	sadd.s32 s5, s19  }
0x9d: {  	s8 =	simm.s32 $0x0;
	s20 =	sshll.u32 s6, $0x1;
	s6 =	sadd.s32 s21, s4  }
0x9e: {  	[timem:s8], [sflag:s22] =	dma.local [hbm:s6], s20  }
0x9f: {  	_ =	swait.ge [sflag:s22], s20  }
0xa0: {  	s5 =	ssub.s32 $0x0, s20;
	[sflag:s22] =	ssyncset.done $0x0  }
0xa1: {  	[sflag:s22] =	ssyncadd.s32 s5;
	_ =	sdelay $0x1  }
0xa2: {  	s23 =	simm.s32 $0x1B8B  }
0xa3: {  	_ =	swait.ge [sflag:s23], $0x1  }
0xa4: {  	[sflag:s23] =	ssyncset.done $0x0  }
0xa5: {  	s25 =	simm.s32 $0x1B8E;
	s24 =	sld [smem:$0x3FFE];
	[sflag:s23] =	ssyncadd.s32 $0xFFFFFFFF  }
0xa6: {  	s26 =	simm.s32 $execute0_lowered;
	[smem:$0x3FD2] =	sst s25  }
0xa7: {  	s6 =	sshll.u32 s26, $0x1;
	_ =	strace $0x80000046;
	[dreg:$0x1] =	wrdreg $0xFFFFFFFF  }
0xa8: {  	s28 =	simm.s32 $_size_execute0_lowered;
	s4 =	sadd.s32 s4, s6;
	[dreg:$0x0] =	wrdreg $0x0  }
0xa9: {  	s6 =	sshll.u32 s28, $0x1;
	[dreg:$0x2] =	wrdreg s4  }
0xaa: {  	[dreg:$0x3] =	wrdreg s6  }
0xab: {  	[dreg:$0x4] =	wrdreg $0xC0  }
0xac: {  	_ =	task [dreg:s8], $0x5FFFF  }
0xad: {  	[dreg:$0x1] =	wrdreg $0xFFFFFFFF  }
0xae: {  	[dreg:$0x0] =	wrdreg $0x60  }
0xaf: {  	[dreg:$0x2] =	wrdreg s24  }
0xb0: {  	[dreg:$0x3] =	wrdreg s2  }
0xb1: {  	[dreg:$0x4] =	wrdreg s18  }
0xb2: {  	[dreg:$0x5] =	wrdreg $0x9  }
0xb3: {  	_ =	task.clear_ibuf [dreg:s8], $0x6FFFF;
	_ =	strace $0x90000046  }
0xb4: {  	s29 =	simm.s32 $0x9;
	_ =	strace $0x80000048  }
0xb5: {  	_ =	swait.ge [sflag:s29], $0x1  }
0xb6: {  	[sflag:s29] =	ssyncadd.s32 $0xFFFFFFFF  }
0xb7: {  	_ =	strace $0x90000048  }
0xb8: {  	_ =	sfence  }
0xb9: {  	s30 =	sld [smem:$0x0];
	_ =	sdelay $0x2  }
0xba: {  	s31 =	sshll.u32 s1, $0xD;
	s1 =	sshrl.u32 s1, $0x2  }
0xbb: {  	s3 =	sand.u32 $0x4000, s31;
	s1 =	sadd.s32 s1, s30  }
0xbc: {  	s0 =	sor.u32 s3, s0;
	s1 =	sshll.u32 s1, $0x11  }
0xbd: {  	s0 =	sor.u32 s1, s0  }
0xbe: {  	s0 =	sadd.s32 $0x8F2B, s0  }
0xbf: {  	[sflag:s0] =	ssyncadd.remote.s32 $0x1  }
0xc0: {  	_ =	sfence.sel $0xFFFF  }
0xc1: {  	[dreg:$0x0] =	wrdreg $0xFFFFFFFF;
	(pc) =	sbr.abs _section_cstart, $3  }
0xc2: {  	[dreg:$0x1] =	wrdreg $0xFFFFFFFF  }
0xc3: {  	_ =	task.clear_ibuf [dreg:s8], $0x2FFFF;
	_ =	strace $0x9FFFFFFF  }
0xc4: {  	(tm) =	ssettm $0x7FFFFFFF  }
0xc5: {  	_ =	shalt  }
tec
execute0_lowered:
.L_overlay_start_1:
0x0: {  	(tag) =	ssettag $0x1  }
0x1: {  	s0 =	rddreg [dreg:$0x0]  }
0x2: {  	s1 =	srdreg.scid;
	s2 =	rddreg [dreg:$0x1]  }
0x3: {  	s11 =	stileid.u32;
	s12 =	rddreg [dreg:$0x2]  }
0x4: {  	s3 =	simm.s32 $0x0;
	s31 =	simm.s32 $0x6;
	s1 =	sand.u32 $0x1, s1  }
0x5: {  	s4 =	sshll.u32 s11, $0xB;
	[smem:$0x7FF] =	sst s3;
	s6 =	sadd.s32 $0x200, s2  }
0x6: {  	s7 =	sadd.s32 $0x300, s2;
	s8 =	sadd.s32 $0x400, s2;
	s9 =	sadd.s32 $0x500, s2  }
0x7: {  	s10 =	sadd.s32 $0x600, s2;
	s5 =	sshll.u32 s1, $0xA;
	s28 =	ssub.s32 $0x2, s1  }
0x8: {  	s30 =	sshll.u32 s11, $0x13;
	s4 =	sor.u32 s5, s4;
	s29 =	sshrl.u32 s28, $0x1  }
0x9: {  	s11 =	sadd.s32 $0x700, s2;
	s4 =	sshrl.u32 s4, $0x3;
	s13 =	ssub.s32 s28, s29  }
0xa: {  	_ =	strace $0x80000047;
	s0 =	sadd.s32 s4, s0;
	s4 =	smax.u32 s13, $0x1  }
0xb: {  	v2 =	vlaneseq.u32;
	s1 =	sshll.u32 s1, $0x12;
	s0 =	sadd.s32 $0x400, s0;
	[dreg:$0x5] =	wrdreg s4  }
0xc: {  	vm0 =	vmmov $0xffff;
	v1 =	vshrl.u32 v2, $0x3;
	s5 =	sadd.s32 $0x100, s2;
	[dreg:$0x4] =	wrdreg s0;
	s0 =	sadd.s32 s30, s12  }
0xd: {  	v0 =	vand.u32 $0x7, v2;
	v2 =	vor.u32 $0x8, v2;
	v1 =	vmul.u32 $0x8, v1;
	s21 =	sadd.s32 s1, s0;
	s1 =	simm.s32 $0x4;
	s0 =	simm.s32 $0x0  }
.LBB2_1:
0xe: {  	s4 =	rddreg [dreg:$0x4];
	s24 =	simm.s32 $0x7  }
0xf: {  	[tilespmem:s3], [sflag:$0x7] =	stream.linear.gather [hbm4b:s4+s3], $0x400, $0x38;
	[tilespmem:$0x18400] =	vst v63  }
0x10: {  	_ =	swait.ge [sflag:s24], $0x400  }
0x11: {  	[sflag:s24] =	ssyncset.done $0x0  }
0x12: {  	[sflag:s24] =	ssyncadd.s32 $0xFFFFFC00  }
0x13: {  	v3 =	vld [tilespmem:$0x0];
	_ =	sdelay $0x4  }
0x14: {  	v4 =	vshll.u32 v3, $0x4  }
0x15: {  	v3 =	vand.u32 $0x7, v3;
	v4 =	vand.u32 $0xFFFFFF80, v4  }
0x16: {  	v3 =	vor.u32 v3, v4  }
0x17: {  	v4 =	vperm.xlane v3, v0;
	_ =	sdelay $0x1  }
0x18: {  	v4 =	vadd.s32 v1, v4;
	_ =	sdelay $0x3  }
0x19: {  	s25 =	simm.s32 $0x400  }
0x1a: {  	[tilespmem:s25], [sflag:$0x1] =	stream.indirect_vreg.gather [hbm4b:s2+s3], $0x80, v4, vm0, $0xb8;
	[tilespmem:$0x18400] =	vst v63  }
0x1b: {  	s26 =	simm.s32 $0xC00  }
0x1c: {  	[tilespmem:s26], [sflag:$0x1] =	stream.indirect_vreg.gather [hbm4b:s5+s3], $0x80, v4, vm0, $0xb8;
	[tilespmem:$0x18400] =	vst v63  }
0x1d: {  	s30 =	simm.s32 $0x1400  }
0x1e: {  	[tilespmem:s30], [sflag:$0x1] =	stream.indirect_vreg.gather [hbm4b:s6+s3], $0x80, v4, vm0, $0xb8;
	[tilespmem:$0x18400] =	vst v63  }
0x1f: {  	s12 =	simm.s32 $0x1C00  }
0x20: {  	[tilespmem:s12], [sflag:$0x1] =	stream.indirect_vreg.gather [hbm4b:s7+s3], $0x80, v4, vm0, $0xb8;
	[tilespmem:$0x18400] =	vst v63  }
0x21: {  	s13 =	simm.s32 $0x2400  }
0x22: {  	[tilespmem:s13], [sflag:$0x1] =	stream.indirect_vreg.gather [hbm4b:s8+s3], $0x80, v4, vm0, $0xb8;
	[tilespmem:$0x18400] =	vst v63  }
0x23: {  	s14 =	simm.s32 $0x2C00;
	v3 =	vperm.xlane v3, v2  }
0x24: {  	[tilespmem:s14], [sflag:$0x1] =	stream.indirect_vreg.gather [hbm4b:s9+s3], $0x80, v4, vm0, $0xb8;
	[tilespmem:$0x18400] =	vst v63  }
0x25: {  	s15 =	simm.s32 $0x3400;
	v3 =	vadd.s32 v1, v3  }
0x26: {  	[tilespmem:s15], [sflag:$0x1] =	stream.indirect_vreg.gather [hbm4b:s10+s3], $0x80, v4, vm0, $0xb8;
	[tilespmem:$0x18400] =	vst v63  }
0x27: {  	s16 =	simm.s32 $0x3C00  }
0x28: {  	[tilespmem:s16], [sflag:$0x1] =	stream.indirect_vreg.gather [hbm4b:s11+s3], $0x80, v4, vm0, $0xb8;
	[tilespmem:$0x18400] =	vst v63  }
0x29: {  	s17 =	simm.s32 $0x4400  }
0x2a: {  	[tilespmem:s17], [sflag:$0x1] =	stream.indirect_vreg.gather [hbm4b:s2+s3], $0x80, v3, vm0, $0xb8;
	[tilespmem:$0x18400] =	vst v63  }
0x2b: {  	s18 =	simm.s32 $0x4C00  }
0x2c: {  	[tilespmem:s18], [sflag:$0x1] =	stream.indirect_vreg.gather [hbm4b:s5+s3], $0x80, v3, vm0, $0xb8;
	[tilespmem:$0x18400] =	vst v63  }
0x2d: {  	s19 =	simm.s32 $0x5400  }
0x2e: {  	[tilespmem:s19], [sflag:$0x1] =	stream.indirect_vreg.gather [hbm4b:s6+s3], $0x80, v3, vm0, $0xb8;
	[tilespmem:$0x18400] =	vst v63  }
0x2f: {  	s20 =	simm.s32 $0x5C00  }
0x30: {  	[tilespmem:s20], [sflag:$0x1] =	stream.indirect_vreg.gather [hbm4b:s7+s3], $0x80, v3, vm0, $0xb8;
	[tilespmem:$0x18400] =	vst v63  }
0x31: {  	s22 =	simm.s32 $0x6400  }
0x32: {  	[tilespmem:s22], [sflag:$0x1] =	stream.indirect_vreg.gather [hbm4b:s8+s3], $0x80, v3, vm0, $0xb8;
	[tilespmem:$0x18400] =	vst v63  }
0x33: {  	s23 =	simm.s32 $0x6C00  }
0x34: {  	[tilespmem:s23], [sflag:$0x1] =	stream.indirect_vreg.gather [hbm4b:s9+s3], $0x80, v3, vm0, $0xb8;
	[tilespmem:$0x18400] =	vst v63  }
0x35: {  	s24 =	simm.s32 $0x7400  }
0x36: {  	[tilespmem:s24], [sflag:$0x1] =	stream.indirect_vreg.gather [hbm4b:s10+s3], $0x80, v3, vm0, $0xb8;
	[tilespmem:$0x18400] =	vst v63  }
0x37: {  	s25 =	simm.s32 $0x7C00  }
0x38: {  	[tilespmem:s25], [sflag:$0x1] =	stream.indirect_vreg.gather [hbm4b:s11+s3], $0x80, v3, vm0, $0xb8;
	[tilespmem:$0x18400] =	vst v63  }
0x39: {  	v3 =	vld [tilespmem:$0x10];
	_ =	sdelay $0x4  }
0x3a: {  	v4 =	vshll.u32 v3, $0x4  }
0x3b: {  	v3 =	vand.u32 $0x7, v3;
	v4 =	vand.u32 $0xFFFFFF80, v4  }
0x3c: {  	v3 =	vor.u32 v3, v4  }
0x3d: {  	v4 =	vperm.xlane v3, v0;
	_ =	sdelay $0x1  }
0x3e: {  	v4 =	vadd.s32 v1, v4;
	_ =	sdelay $0x3  }
0x3f: {  	s26 =	simm.s32 $0x8400  }
0x40: {  	[tilespmem:s26], [sflag:$0x2] =	stream.indirect_vreg.gather [hbm4b:s2+s3], $0x80, v4, vm0, $0xb8;
	[tilespmem:$0x18400] =	vst v63  }
0x41: {  	s30 =	simm.s32 $0x8C00  }
0x42: {  	[tilespmem:s30], [sflag:$0x2] =	stream.indirect_vreg.gather [hbm4b:s5+s3], $0x80, v4, vm0, $0xb8;
	[tilespmem:$0x18400] =	vst v63  }
0x43: {  	s12 =	simm.s32 $0x9400  }
0x44: {  	[tilespmem:s12], [sflag:$0x2] =	stream.indirect_vreg.gather [hbm4b:s6+s3], $0x80, v4, vm0, $0xb8;
	[tilespmem:$0x18400] =	vst v63  }
0x45: {  	s13 =	simm.s32 $0x9C00  }
0x46: {  	[tilespmem:s13], [sflag:$0x2] =	stream.indirect_vreg.gather [hbm4b:s7+s3], $0x80, v4, vm0, $0xb8;
	[tilespmem:$0x18400] =	vst v63  }
0x47: {  	s14 =	simm.s32 $0xA400  }
0x48: {  	[tilespmem:s14], [sflag:$0x2] =	stream.indirect_vreg.gather [hbm4b:s8+s3], $0x80, v4, vm0, $0xb8;
	[tilespmem:$0x18400] =	vst v63  }
0x49: {  	s15 =	simm.s32 $0xAC00;
	v3 =	vperm.xlane v3, v2  }
0x4a: {  	[tilespmem:s15], [sflag:$0x2] =	stream.indirect_vreg.gather [hbm4b:s9+s3], $0x80, v4, vm0, $0xb8;
	[tilespmem:$0x18400] =	vst v63  }
0x4b: {  	s16 =	simm.s32 $0xB400;
	v3 =	vadd.s32 v1, v3  }
0x4c: {  	[tilespmem:s16], [sflag:$0x2] =	stream.indirect_vreg.gather [hbm4b:s10+s3], $0x80, v4, vm0, $0xb8;
	[tilespmem:$0x18400] =	vst v63  }
0x4d: {  	s17 =	simm.s32 $0xBC00  }
0x4e: {  	[tilespmem:s17], [sflag:$0x2] =	stream.indirect_vreg.gather [hbm4b:s11+s3], $0x80, v4, vm0, $0xb8;
	[tilespmem:$0x18400] =	vst v63  }
0x4f: {  	p1 =	por $0x0, $0x0;
	s18 =	simm.s32 $0xC400;
	s13 =	simm.s32 $0x2  }
0x50: {  	[tilespmem:s18], [sflag:$0x2] =	stream.indirect_vreg.gather [hbm4b:s2+s3], $0x80, v3, vm0, $0xb8;
	[tilespmem:$0x18400] =	vst v63  }
0x51: {  	s19 =	simm.s32 $0xCC00;
	s13 =	smul.u32 @!p1 $0xAB, s13  }
0x52: {  	[tilespmem:s19], [sflag:$0x2] =	stream.indirect_vreg.gather [hbm4b:s5+s3], $0x80, v3, vm0, $0xb8;
	[tilespmem:$0x18400] =	vst v63  }
0x53: {  	s20 =	simm.s32 $0xD400;
	s13 =	sshrl.u32 @!p1 s13, $0x9  }
0x54: {  	[tilespmem:s20], [sflag:$0x2] =	stream.indirect_vreg.gather [hbm4b:s6+s3], $0x80, v3, vm0, $0xb8;
	[tilespmem:$0x18400] =	vst v63  }
0x55: {  	s22 =	simm.s32 $0xDC00;
	s13 =	sand.u32 @!p1 $0x7F, s13  }
0x56: {  	[tilespmem:s22], [sflag:$0x2] =	stream.indirect_vreg.gather [hbm4b:s7+s3], $0x80, v3, vm0, $0xb8;
	[tilespmem:$0x18400] =	vst v63  }
0x57: {  	s23 =	simm.s32 $0xE400;
	s13 =	smul.u32 @!p1 $0x3, s13  }
0x58: {  	[tilespmem:s23], [sflag:$0x2] =	stream.indirect_vreg.gather [hbm4b:s8+s3], $0x80, v3, vm0, $0xb8;
	[tilespmem:$0x18400] =	vst v63  }
0x59: {  	p0 =	por @!p1 $0x1, $0x1;
	s24 =	simm.s32 $0xEC00;
	s13 =	ssub.s32 @!p1 $0x2, s13  }
0x5a: {  	[tilespmem:s24], [sflag:$0x2] =	stream.indirect_vreg.gather [hbm4b:s9+s3], $0x80, v3, vm0, $0xb8;
	[tilespmem:$0x18400] =	vst v63  }
0x5b: {  	p0 =	por p0, p1;
	s25 =	simm.s32 $0xF400;
	s13 =	sand.u32 @!p1 $0xFF, s13  }
0x5c: {  	[tilespmem:s25], [sflag:$0x2] =	stream.indirect_vreg.gather [hbm4b:s10+s3], $0x80, v3, vm0, $0xb8;
	[tilespmem:$0x18400] =	vst v63  }
0x5d: {  	s26 =	simm.s32 $0xFC00;
	s15 =	sadd.s32 @!p0 $0x4, s13  }
0x5e: {  	[tilespmem:s26], [sflag:$0x2] =	stream.indirect_vreg.gather [hbm4b:s11+s3], $0x80, v3, vm0, $0xb8;
	[tilespmem:$0x18400] =	vst v63  }
0x5f: {  	_ =	swait.ge @!p0 [sflag:s15], $0x8000  }
0x60: {  	[sflag:s15] =	ssyncset.done @!p0 $0x0  }
0x61: {  	s16 =	simm.s32 $0x20;
	[sflag:s15] =	ssyncadd.s32 @!p0 $0xFFFF8000;
	p0 =	por p1, p1  }
0x62: {  	v3 =	vld @!p0 [tilespmem:s16+$0x0];
	_ =	sdelay $0x4  }
0x63: {  	v4 =	vshll.u32 @!p0 v3, $0x4  }
0x64: {  	v5 =	vlaneseq.u32 @!p1;
	v3 =	vand.u32 @!p0 $0x7, v3;
	v4 =	vand.u32 @!p0 $0xFFFFFF80, v4  }
0x65: {  	v6 =	vand.u32 @!p1 $0x7, v5;
	v7 =	vshrl.u32 @!p1 v5, $0x3;
	v3 =	vor.u32 @!p0 v3, v4  }
0x66: {  	v4 =	vmul.u32 @!p0 $0x8, v7;
	v6 =	vperm.xlane @!p0 v3, v6;
	_ =	sdelay $0x1  }
0x67: {  	v6 =	vadd.s32 @!p0 v4, v6;
	_ =	sdelay $0x2  }
0x68: {  	s16 =	sshll.u32 @!p1 s13, $0xF  }
0x69: {  	vm1 =	vmmov @!p0 $0xffff;
	s22 =	simm.s32 @!p0 $0x0;
	s23 =	sadd.s32 @!p0 $0x1, s13;
	s15 =	sor.u32 @!p0 $0x400, s16  }
0x6a: {  	[tilespmem:s15], [sflag:s23] =	stream.indirect_vreg.gather @!p0 [hbm4b:s2+s22], $0x80, v6, vm1, $0xb8;
	[tilespmem:$0x18400] =	vst v63  }
0x6b: {  	s13 =	sor.u32 @!p0 $0xC00, s16  }
0x6c: {  	[tilespmem:s13], [sflag:s23] =	stream.indirect_vreg.gather @!p0 [hbm4b:s5+s22], $0x80, v6, vm1, $0xb8;
	[tilespmem:$0x18400] =	vst v63  }
0x6d: {  	s13 =	sor.u32 @!p0 $0x1400, s16  }
0x6e: {  	[tilespmem:s13], [sflag:s23] =	stream.indirect_vreg.gather @!p0 [hbm4b:s6+s22], $0x80, v6, vm1, $0xb8;
	[tilespmem:$0x18400] =	vst v63  }
0x6f: {  	s13 =	sor.u32 @!p0 $0x1C00, s16  }
0x70: {  	[tilespmem:s13], [sflag:s23] =	stream.indirect_vreg.gather @!p0 [hbm4b:s7+s22], $0x80, v6, vm1, $0xb8;
	[tilespmem:$0x18400] =	vst v63  }
0x71: {  	s13 =	sor.u32 @!p0 $0x2400, s16  }
0x72: {  	v5 =	vor.u32 @!p1 $0x8, v5;
	[tilespmem:s13], [sflag:s23] =	stream.indirect_vreg.gather @!p0 [hbm4b:s8+s22], $0x80, v6, vm1, $0xb8;
	[tilespmem:$0x18400] =	vst v63  }
0x73: {  	s17 =	smul.u32 $0xAB, s3;
	v3 =	vperm.xlane @!p0 v3, v5;
	s13 =	sor.u32 @!p0 $0x2C00, s16  }
0x74: {  	[tilespmem:s13], [sflag:s23] =	stream.indirect_vreg.gather @!p0 [hbm4b:s9+s22], $0x80, v6, vm1, $0xb8;
	[tilespmem:$0x18400] =	vst v63  }
0x75: {  	s28 =	simm.s32 $0x3;
	s30 =	sshrl.u32 s17, $0x9;
	v5 =	vadd.s32 @!p0 v4, v3;
	s13 =	sor.u32 @!p0 $0x3400, s16  }
0x76: {  	[tilespmem:s13], [sflag:s23] =	stream.indirect_vreg.gather @!p0 [hbm4b:s10+s22], $0x80, v6, vm1, $0xb8;
	[tilespmem:$0x18400] =	vst v63  }
0x77: {  	s19 =	sor.u32 @!p1 $0x7400, s16;
	s18 =	sor.u32 @!p1 $0x7C00, s16;
	s13 =	sor.u32 @!p0 $0x3C00, s16  }
0x78: {  	[tilespmem:s13], [sflag:s23] =	stream.indirect_vreg.gather @!p0 [hbm4b:s11+s22], $0x80, v6, vm1, $0xb8;
	[tilespmem:$0x18400] =	vst v63  }
0x79: {  	s25 =	sor.u32 @!p1 $0x6C00, s16;
	p1 =	por $0x0, $0x0;
	s13 =	sor.u32 @!p0 $0x4400, s16  }
0x7a: {  	[tilespmem:s13], [sflag:s23] =	stream.indirect_vreg.gather @!p0 [hbm4b:s2+s22], $0x80, v5, vm1, $0xb8;
	[tilespmem:$0x18400] =	vst v63  }
0x7b: {  	s17 =	simm.s32 $0x30;
	s24 =	smul.u32 @!p1 $0xAB, s28;
	s13 =	sor.u32 @!p0 $0x4C00, s16  }
0x7c: {  	[tilespmem:s13], [sflag:s23] =	stream.indirect_vreg.gather @!p0 [hbm4b:s5+s22], $0x80, v5, vm1, $0xb8;
	[tilespmem:$0x18400] =	vst v63  }
0x7d: {  	s20 =	simm.s32 $0x2;
	s24 =	sshrl.u32 @!p1 s24, $0x9;
	s13 =	sor.u32 @!p0 $0x5400, s16  }
0x7e: {  	[tilespmem:s13], [sflag:s23] =	stream.indirect_vreg.gather @!p0 [hbm4b:s6+s22], $0x80, v5, vm1, $0xb8;
	[tilespmem:$0x18400] =	vst v63  }
0x7f: {  	s26 =	sand.u32 @!p1 $0x7F, s24;
	s24 =	simm.s32 $0x0;
	s13 =	sor.u32 @!p0 $0x5C00, s16  }
0x80: {  	[tilespmem:s13], [sflag:s23] =	stream.indirect_vreg.gather @!p0 [hbm4b:s7+s22], $0x80, v5, vm1, $0xb8;
	[tilespmem:$0x18400] =	vst v63  }
0x81: {  	s15 =	simm.s32 $0x1;
	s16 =	sor.u32 @!p0 $0x6400, s16;
	s13 =	sand.u32 $0x7F, s30  }
0x82: {  	v3 =	vlaneseq.u32 @!p1;
	[tilespmem:s16], [sflag:s23] =	stream.indirect_vreg.gather @!p0 [hbm4b:s8+s22], $0x80, v5, vm1, $0xb8;
	[tilespmem:$0x18400] =	vst v63  }
0x83: {  	v4 =	vand.u32 @!p1 $0x7, v3;
	v6 =	vshrl.u32 @!p1 v3, $0x3;
	v3 =	vor.u32 @!p1 $0x8, v3;
	s29 =	smul.u32 $0x3, s13;
	s13 =	smov.u32 s21;
	s16 =	sadd.s32 $0x1000, s21  }
.LBB2_2:
0x84: {  	s26 =	smul.u32 @!p1 $0x3, s26;
	p2 =	seq.s32 @!p1 s15, $0x0  }
0x85: {  	s29 =	ssub.s32 s24, s29;
	s24 =	smov.u32 s15;
	s15 =	smov.u32 s20  }
0x86: {  	[tilespmem:s25], [sflag:s23] =	stream.indirect_vreg.gather @!p0 [hbm4b:s9+s22], $0x80, v5, vm1, $0xb8;
	[tilespmem:$0x18400] =	vst v63  }
0x87: {  	s20 =	sadd.s32 $0x1, s20;
	p3 =	por p2, p1;
	s25 =	ssub.s32 @!p1 s28, s26  }
0x88: {  	[tilespmem:s19], [sflag:s23] =	stream.indirect_vreg.gather @!p0 [hbm4b:s10+s22], $0x80, v5, vm1, $0xb8;
	[tilespmem:$0x18400] =	vst v63  }
0x89: {  	p2 =	sne.s32 s20, $0x40;
	s28 =	sand.u32 @!p1 $0xFF, s25;
	s25 =	sand.u32 $0xFF, s29  }
0x8a: {  	s26 =	sshll.u32 @!p1 s28, $0xF;
	s29 =	sadd.s32 $0x1, s25;
	s4 =	sshll.u32 s25, $0xF  }
0x8b: {  	[tilespmem:s18], [sflag:s23] =	stream.indirect_vreg.gather @!p0 [hbm4b:s11+s22], $0x80, v5, vm1, $0xb8;
	[tilespmem:$0x18400] =	vst v63  }
0x8c: {  	s19 =	sor.u32 @!p1 $0x7400, s26;
	s18 =	sor.u32 @!p1 $0x7C00, s26;
	_ =	swait.ge [sflag:s29], $0x8000  }
0x8d: {  	s4 =	sor.u32 $0x400, s4;
	s22 =	sadd.s32 $0x4, s25;
	[sflag:s29] =	ssyncset.done $0x0  }
0x8e: {  	s23 =	sadd.s32 @!p3 $0x4, s28;
	s25 =	sor.u32 @!p1 $0x6C00, s26;
	[sflag:s29] =	ssyncadd.s32 $0xFFFF8000  }
0x8f: {  	[hbm4b:s13+s3] =	stream.linear.scatter [tilespmem:s4], [sflag:s22], $0x8000, $0x38;
	[tilespmem:$0x18400] =	vst v63  }
0x90: {  	p0 =	por p1, p1;
	s13 =	smov.u32 s16;
	_ =	swait.ge @!p3 [sflag:s23], $0x8000  }
0x91: {  	[sflag:s23] =	ssyncset.done @!p3 $0x0  }
0x92: {  	[sflag:s23] =	ssyncadd.s32 @!p3 $0xFFFF8000  }
0x93: {  	v5 =	vld @!p0 [tilespmem:s17+$0x0];
	_ =	sdelay $0x1  }
0x94: {  	v6 =	vmul.u32 @!p0 $0x8, v6;
	_ =	sdelay $0x2  }
0x95: {  	v7 =	vand.u32 @!p0 $0x7, v5;
	v5 =	vshll.u32 @!p0 v5, $0x4  }
0x96: {  	v5 =	vand.u32 @!p0 $0xFFFFFF80, v5  }
0x97: {  	v5 =	vor.u32 @!p0 v7, v5  }
0x98: {  	vm1 =	vmmov @!p0 $0xffff;
	s22 =	simm.s32 @!p0 $0x0;
	v4 =	vperm.xlane @!p0 v5, v4;
	v3 =	vperm.xlane @!p0 v5, v3;
	_ =	sdelay $0x1  }
0x99: {  	s4 =	sor.u32 @!p0 $0x400, s26;
	s23 =	sadd.s32 @!p0 $0x1, s28;
	v4 =	vadd.s32 @!p0 v6, v4;
	_ =	sdelay $0x1  }
0x9a: {  	s28 =	sor.u32 @!p0 $0xC00, s26;
	_ =	sdelay $0x1  }
0x9b: {  	s29 =	sor.u32 @!p0 $0x1400, s26  }
0x9c: {  	[tilespmem:s4], [sflag:s23] =	stream.indirect_vreg.gather @!p0 [hbm4b:s2+s22], $0x80, v4, vm1, $0xb8;
	[tilespmem:$0x18400] =	vst v63  }
0x9d: {  	s4 =	sor.u32 @!p0 $0x1C00, s26  }
0x9e: {  	[tilespmem:s28], [sflag:s23] =	stream.indirect_vreg.gather @!p0 [hbm4b:s5+s22], $0x80, v4, vm1, $0xb8;
	[tilespmem:$0x18400] =	vst v63  }
0x9f: {  	s28 =	sor.u32 @!p0 $0x2400, s26  }
0xa0: {  	[tilespmem:s29], [sflag:s23] =	stream.indirect_vreg.gather @!p0 [hbm4b:s6+s22], $0x80, v4, vm1, $0xb8;
	[tilespmem:$0x18400] =	vst v63  }
0xa1: {  	s29 =	sor.u32 @!p0 $0x2C00, s26  }
0xa2: {  	[tilespmem:s4], [sflag:s23] =	stream.indirect_vreg.gather @!p0 [hbm4b:s7+s22], $0x80, v4, vm1, $0xb8;
	[tilespmem:$0x18400] =	vst v63  }
0xa3: {  	v5 =	vadd.s32 @!p0 v6, v3;
	s4 =	sor.u32 @!p0 $0x3400, s26  }
0xa4: {  	[tilespmem:s28], [sflag:s23] =	stream.indirect_vreg.gather @!p0 [hbm4b:s8+s22], $0x80, v4, vm1, $0xb8;
	[tilespmem:$0x18400] =	vst v63  }
0xa5: {  	s28 =	sor.u32 @!p0 $0x3C00, s26  }
0xa6: {  	[tilespmem:s29], [sflag:s23] =	stream.indirect_vreg.gather @!p0 [hbm4b:s9+s22], $0x80, v4, vm1, $0xb8;
	[tilespmem:$0x18400] =	vst v63  }
0xa7: {  	s29 =	sor.u32 @!p0 $0x4400, s26  }
0xa8: {  	[tilespmem:s4], [sflag:s23] =	stream.indirect_vreg.gather @!p0 [hbm4b:s10+s22], $0x80, v4, vm1, $0xb8;
	[tilespmem:$0x18400] =	vst v63  }
0xa9: {  	s4 =	sor.u32 @!p0 $0x4C00, s26  }
0xaa: {  	[tilespmem:s28], [sflag:s23] =	stream.indirect_vreg.gather @!p0 [hbm4b:s11+s22], $0x80, v4, vm1, $0xb8;
	[tilespmem:$0x18400] =	vst v63  }
0xab: {  	s12 =	smul.u32 $0xAB, s24;
	s14 =	sor.u32 @!p0 $0x5400, s26  }
0xac: {  	[tilespmem:s29], [sflag:s23] =	stream.indirect_vreg.gather @!p0 [hbm4b:s2+s22], $0x80, v5, vm1, $0xb8;
	[tilespmem:$0x18400] =	vst v63  }
0xad: {  	p1 =	sgt.u32 s15, $0x3D;
	s28 =	sadd.s32 $0x2, s15;
	s29 =	sor.u32 @!p0 $0x5C00, s26  }
0xae: {  	v3 =	vlaneseq.u32 @!p1;
	[tilespmem:s4], [sflag:s23] =	stream.indirect_vreg.gather @!p0 [hbm4b:s5+s22], $0x80, v5, vm1, $0xb8;
	[tilespmem:$0x18400] =	vst v63  }
0xaf: {  	s12 =	sshrl.u32 s12, $0x9;
	s30 =	sor.u32 @!p0 $0x6400, s26;
	v6 =	vshrl.u32 @!p1 v3, $0x3;
	v4 =	vand.u32 @!p1 $0x7, v3;
	v3 =	vor.u32 @!p1 $0x8, v3;
	s4 =	smul.u32 @!p1 $0xAB, s28  }
0xb0: {  	[tilespmem:s14], [sflag:s23] =	stream.indirect_vreg.gather @!p0 [hbm4b:s6+s22], $0x80, v5, vm1, $0xb8;
	[tilespmem:$0x18400] =	vst v63  }
.Ltmp0:
0xb1: {  	_ = 	snop;
	(pc) =	sbr.rel @p2 .LBB2_2-.Ltmp0, $4  }
0xb2: {  	s12 =	sand.u32 $0x7F, s12;
	s17 =	sadd.s32 $0x10, s17;
	s4 =	sshrl.u32 @!p1 s4, $0x9  }
0xb3: {  	[tilespmem:s29], [sflag:s23] =	stream.indirect_vreg.gather @!p0 [hbm4b:s7+s22], $0x80, v5, vm1, $0xb8;
	[tilespmem:$0x18400] =	vst v63  }
0xb4: {  	s16 =	sadd.s32 $0x1000, s16;
	s26 =	sand.u32 @!p1 $0x7F, s4;
	s29 =	smul.u32 $0x3, s12  }
0xb5: {  	[tilespmem:s30], [sflag:s23] =	stream.indirect_vreg.gather @!p0 [hbm4b:s8+s22], $0x80, v5, vm1, $0xb8;
	[tilespmem:$0x18400] =	vst v63  }
0xb6: {  	_ =	sdelay $0x3  }
0xb7: {  	[tilespmem:s25], [sflag:s23] =	stream.indirect_vreg.gather @!p0 [hbm4b:s9+s22], $0x80, v5, vm1, $0xb8;
	[tilespmem:$0x18400] =	vst v63  }
0xb8: {  	s4 =	ssub.s32 s24, s29  }
0xb9: {  	s12 =	smul.u32 @!p1 $0x3, s26;
	s4 =	sand.u32 $0xFF, s4  }
0xba: {  	[tilespmem:s19], [sflag:s23] =	stream.indirect_vreg.gather @!p0 [hbm4b:s10+s22], $0x80, v5, vm1, $0xb8;
	[tilespmem:$0x18400] =	vst v63  }
0xbb: {  	s14 =	sadd.s32 $0x1, s4;
	s12 =	ssub.s32 @!p1 s28, s12  }
0xbc: {  	[tilespmem:s18], [sflag:s23] =	stream.indirect_vreg.gather @!p0 [hbm4b:s11+s22], $0x80, v5, vm1, $0xb8;
	[tilespmem:$0x18400] =	vst v63  }
0xbd: {  	s20 =	sshll.u32 s4, $0xF;
	s4 =	sadd.s32 $0x4, s4;
	_ =	swait.ge [sflag:s14], $0x8000  }
0xbe: {  	s12 =	sand.u32 @!p1 $0xFF, s12;
	p0 =	seq.s32 @!p1 s15, $0x0;
	[sflag:s14] =	ssyncset.done $0x0  }
0xbf: {  	p2 =	por p0, p1;
	[sflag:s14] =	ssyncadd.s32 $0xFFFF8000;
	s14 =	sor.u32 $0x400, s20  }
0xc0: {  	[hbm4b:s13+s3] =	stream.linear.scatter [tilespmem:s14], [sflag:s4], $0x8000, $0x38;
	[tilespmem:$0x18400] =	vst v63  }
0xc1: {  	s4 =	sadd.s32 @!p2 $0x4, s12  }
0xc2: {  	_ =	swait.ge @!p2 [sflag:s4], $0x8000  }
0xc3: {  	[sflag:s4] =	ssyncset.done @!p2 $0x0  }
0xc4: {  	p0 =	por p1, p1;
	[sflag:s4] =	ssyncadd.s32 @!p2 $0xFFFF8000  }
0xc5: {  	v5 =	vld @!p0 [tilespmem:s17+$0x0];
	_ =	sdelay $0x4  }
0xc6: {  	v7 =	vshll.u32 @!p0 v5, $0x4  }
0xc7: {  	v5 =	vand.u32 @!p0 $0x7, v5;
	v7 =	vand.u32 @!p0 $0xFFFFFF80, v7  }
0xc8: {  	v5 =	vor.u32 @!p0 v5, v7  }
0xc9: {  	v6 =	vmul.u32 @!p0 $0x8, v6;
	v4 =	vperm.xlane @!p0 v5, v4;
	_ =	sdelay $0x1  }
0xca: {  	v4 =	vadd.s32 @!p0 v6, v4;
	_ =	sdelay $0x2  }
0xcb: {  	s4 =	sshll.u32 @!p1 s12, $0xF  }
0xcc: {  	vm1 =	vmmov @!p0 $0xffff;
	s13 =	simm.s32 @!p0 $0x0;
	s12 =	sadd.s32 @!p0 $0x1, s12;
	s14 =	sor.u32 @!p0 $0x400, s4  }
0xcd: {  	[tilespmem:s14], [sflag:s12] =	stream.indirect_vreg.gather @!p0 [hbm4b:s2+s13], $0x80, v4, vm1, $0xb8;
	[tilespmem:$0x18400] =	vst v63  }
0xce: {  	s14 =	sor.u32 @!p0 $0xC00, s4  }
0xcf: {  	[tilespmem:s14], [sflag:s12] =	stream.indirect_vreg.gather @!p0 [hbm4b:s5+s13], $0x80, v4, vm1, $0xb8;
	[tilespmem:$0x18400] =	vst v63  }
0xd0: {  	s14 =	sor.u32 @!p0 $0x1400, s4  }
0xd1: {  	[tilespmem:s14], [sflag:s12] =	stream.indirect_vreg.gather @!p0 [hbm4b:s6+s13], $0x80, v4, vm1, $0xb8;
	[tilespmem:$0x18400] =	vst v63  }
0xd2: {  	s14 =	sor.u32 @!p0 $0x1C00, s4  }
0xd3: {  	[tilespmem:s14], [sflag:s12] =	stream.indirect_vreg.gather @!p0 [hbm4b:s7+s13], $0x80, v4, vm1, $0xb8;
	[tilespmem:$0x18400] =	vst v63  }
0xd4: {  	s14 =	sor.u32 @!p0 $0x2400, s4  }
0xd5: {  	[tilespmem:s14], [sflag:s12] =	stream.indirect_vreg.gather @!p0 [hbm4b:s8+s13], $0x80, v4, vm1, $0xb8;
	[tilespmem:$0x18400] =	vst v63  }
0xd6: {  	v3 =	vperm.xlane @!p0 v5, v3;
	s14 =	sor.u32 @!p0 $0x2C00, s4  }
0xd7: {  	[tilespmem:s14], [sflag:s12] =	stream.indirect_vreg.gather @!p0 [hbm4b:s9+s13], $0x80, v4, vm1, $0xb8;
	[tilespmem:$0x18400] =	vst v63  }
0xd8: {  	v3 =	vadd.s32 @!p0 v6, v3;
	s14 =	sor.u32 @!p0 $0x3400, s4  }
0xd9: {  	[tilespmem:s14], [sflag:s12] =	stream.indirect_vreg.gather @!p0 [hbm4b:s10+s13], $0x80, v4, vm1, $0xb8;
	[tilespmem:$0x18400] =	vst v63  }
0xda: {  	s14 =	sor.u32 @!p0 $0x3C00, s4  }
0xdb: {  	[tilespmem:s14], [sflag:s12] =	stream.indirect_vreg.gather @!p0 [hbm4b:s11+s13], $0x80, v4, vm1, $0xb8;
	[tilespmem:$0x18400] =	vst v63  }
0xdc: {  	s14 =	sor.u32 @!p0 $0x4400, s4  }
0xdd: {  	[tilespmem:s14], [sflag:s12] =	stream.indirect_vreg.gather @!p0 [hbm4b:s2+s13], $0x80, v3, vm1, $0xb8;
	[tilespmem:$0x18400] =	vst v63  }
0xde: {  	s14 =	sor.u32 @!p0 $0x4C00, s4  }
0xdf: {  	[tilespmem:s14], [sflag:s12] =	stream.indirect_vreg.gather @!p0 [hbm4b:s5+s13], $0x80, v3, vm1, $0xb8;
	[tilespmem:$0x18400] =	vst v63  }
0xe0: {  	s14 =	sor.u32 @!p0 $0x5400, s4  }
0xe1: {  	[tilespmem:s14], [sflag:s12] =	stream.indirect_vreg.gather @!p0 [hbm4b:s6+s13], $0x80, v3, vm1, $0xb8;
	[tilespmem:$0x18400] =	vst v63  }
0xe2: {  	s14 =	sor.u32 @!p0 $0x5C00, s4  }
0xe3: {  	[tilespmem:s14], [sflag:s12] =	stream.indirect_vreg.gather @!p0 [hbm4b:s7+s13], $0x80, v3, vm1, $0xb8;
	[tilespmem:$0x18400] =	vst v63  }
0xe4: {  	s14 =	sor.u32 @!p0 $0x6400, s4  }
0xe5: {  	[tilespmem:s14], [sflag:s12] =	stream.indirect_vreg.gather @!p0 [hbm4b:s8+s13], $0x80, v3, vm1, $0xb8;
	[tilespmem:$0x18400] =	vst v63  }
0xe6: {  	s22 =	smul.u32 $0xAB, s15;
	s14 =	sor.u32 @!p1 $0x6C00, s4  }
0xe7: {  	[tilespmem:s14], [sflag:s12] =	stream.indirect_vreg.gather @!p0 [hbm4b:s9+s13], $0x80, v3, vm1, $0xb8;
	[tilespmem:$0x18400] =	vst v63  }
0xe8: {  	s23 =	sshrl.u32 s22, $0x9;
	s14 =	sor.u32 @!p1 $0x7400, s4  }
0xe9: {  	[tilespmem:s14], [sflag:s12] =	stream.indirect_vreg.gather @!p0 [hbm4b:s10+s13], $0x80, v3, vm1, $0xb8;
	[tilespmem:$0x18400] =	vst v63  }
0xea: {  	s14 =	sand.u32 $0x7F, s23  }
0xeb: {  	s4 =	sor.u32 @!p1 $0x7C00, s4;
	s14 =	smul.u32 $0x3, s14  }
0xec: {  	[tilespmem:s4], [sflag:s12] =	stream.indirect_vreg.gather @!p0 [hbm4b:s11+s13], $0x80, v3, vm1, $0xb8;
	[tilespmem:$0x18400] =	vst v63  }
0xed: {  	s24 =	ssub.s32 s15, s14  }
0xee: {  	s4 =	sand.u32 $0xFF, s24  }
0xef: {  	s25 =	sadd.s32 $0x1, s4  }
0xf0: {  	_ =	swait.ge [sflag:s25], $0x8000  }
0xf1: {  	s29 =	simm.s32 $0x5;
	s26 =	sshll.u32 s4, $0xF;
	[sflag:s25] =	ssyncset.done $0x0  }
0xf2: {  	s4 =	sadd.s32 $0x4, s4;
	s28 =	sor.u32 $0x400, s26;
	[sflag:s25] =	ssyncadd.s32 $0xFFFF8000  }
0xf3: {  	[hbm4b:s16+s3] =	stream.linear.scatter [tilespmem:s28], [sflag:s4], $0x8000, $0x38;
	[tilespmem:$0x18400] =	vst v63  }
0xf4: {  	_ =	swait.ge [sflag:s29], $0x8000  }
0xf5: {  	[sflag:s29] =	ssyncset.done $0x0  }
0xf6: {  	[sflag:s29] =	ssyncadd.s32 $0xFFFF8000  }
0xf7: {  	_ =	swait.ge [sflag:s31], $0x8000  }
0xf8: {  	[sflag:s31] =	ssyncset.done $0x0  }
0xf9: {  	[sflag:s31] =	ssyncadd.s32 $0xFFFF8000  }
0xfa: {  	_ =	swait.ge [sflag:s1], $0x8000  }
0xfb: {  	s0 =	sadd.s32 $0x1, s0;
	s30 =	rddreg [dreg:$0x5]  }
0xfc: {  	p0 =	sne.s32 s0, s30  }
.Ltmp1:
0xfd: {  	_ = 	snop;
	(pc) =	sbr.rel @p0 .LBB2_1-.Ltmp1, $3  }
0xfe: {  	_ =	sdelay $0x1  }
0xff: {  	[sflag:s1] =	ssyncset.done $0x0  }
0x100: {  	[sflag:s1] =	ssyncadd.s32 $0xFFFF8000  }
0x101: {  	_ =	sfence.sel $0x180000  }
0x102: {  	[bflag:$0x0] =	sbarrier.arrive $0xFFFF  }
0x103: {  	_ =	strace $0x90000047  }
0x104: {  	s0 =	stileid.u32;
	[bflag:$0x2] =	sbarrier.arrive $0xFFFF  }
0x105: {  	p0 =	sne.s32 s0, $0x0;
	s0 =	rddreg [dreg:$0x3]  }
0x106: {  	s0 =	sadd.s32 @!p0 $0x100000, s0  }
0x107: {  	[sflag:s0] =	ssyncadd.tile.s32 @!p0 $0x1;
	_ =	shalt  }
.Lfunc_end2:
_tile_overlayer_lowered:
.L_overlay_start_2:
0x108: {  	(tag) =	ssettag $0x2  }
0x109: {  	s0 =	rddreg [dreg:$0x0];
	s2 =	stileid.u32  }
0x10a: {  	s1 =	rddreg [dreg:$0x1];
	p0 =	sne.s32 s2, $0x0  }
0x10b: {  	s3 =	rddreg [dreg:$0x2];
	[bflag:$0x3] =	sbarrier.arrive $0xFFFF;
	s2 =	simm.s32 @!p0 $0x1C07  }
0x10c: {  	[timem:s3], [sflag:s2] =	dma.local @!p0 [hbm:s0], s1  }
0x10d: {  	s0 =	simm.s32 @!p0 $0x7  }
0x10e: {  	_ =	swait.ge @!p0 [sflag:s0], s1  }
0x10f: {  	s1 =	ssub.s32 @!p0 $0x0, s1;
	[sflag:s0] =	ssyncset.done @!p0 $0x0  }
0x110: {  	[sflag:s0] =	ssyncadd.s32 @!p0 s1  }
0x111: {  	[bflag:$0x3] =	sbarrier.arrive $0xFFFF  }
0x112: {  	_ =	shalt  }

</sc_bundles>
